<compile_context>
chip_gen: v7x
topology: tpu7x:2x2x1
jax: 0.10.2.dev20260603
libtpu: 0.0.44.dev20260713+nightly
codegen_flags: <defaults>
</compile_context>

<pallas_src>
import jax
import jax.numpy as jnp
from jax import lax
from jax.experimental import pallas as pl
from jax.experimental.pallas import tpu as pltpu
from jax.experimental.pallas import tpu_sc as plsc

_L = 8
_BATCH = 16384
_TABLE = 256
_NUM_WORKERS = 32
_BPW = _BATCH // _NUM_WORKERS
_LANES = 16
_STEPS = _BPW // _LANES


def _ewf_body(xT_hbm, aux_hbm, out_hbm, xbuf, table, outbuf):
    wid = lax.axis_index("s") * 2 + lax.axis_index("c")
    base = wid * _BPW
    pltpu.sync_copy(xT_hbm.at[:, pl.ds(base, _BPW)], xbuf)
    pltpu.sync_copy(aux_hbm, table)
    @pl.loop(0, _STEPS)
    def _step(s):
        sl = pl.ds(s * _LANES, _LANES)
        acc = jnp.zeros((_LANES,), jnp.int32)
        for i in range(_L):
            v = xbuf[i, sl]
            acc = (acc << 1) | (v & 1)
        outbuf[sl] = plsc.load_gather(table, [acc])
    pltpu.sync_copy(outbuf, out_hbm.at[pl.ds(base, _BPW)])


def kernel(x, aux, j1):
    xT = x.T
    mesh = plsc.VectorSubcoreMesh(core_axis_name="c", subcore_axis_name="s")
    return pl.kernel(
        _ewf_body,
        out_type=jax.ShapeDtypeStruct((_BATCH,), jnp.float32),
        mesh=mesh,
        compiler_params=pltpu.CompilerParams(needs_layout_passes=False),
        scratch_types=[
            pltpu.VMEM((_L, _BPW), jnp.int32),
            pltpu.VMEM((_TABLE,), jnp.float32),
            pltpu.VMEM((_BPW,), jnp.float32),
        ],
    )(xT, aux)

# --- scband reference (transcript-rebuilt; emitter-appended) ---
"""Pipeline reference for scband-ewf-352187318478 (READ-ONLY COPY).

The authoritative reference and input builder live on the scoring server;
editing this copy changes nothing except your own understanding.
"""

import jax, jax.numpy as jnp
import numpy as np

L = 8
BATCH = 16384
TABLE = 2 ** L


def change_to_int(x, L):
    Aux = jnp.array([2 ** (L - 1 - i) for i in range(L)], dtype=jnp.int32)
    Z = (jnp.mod(1 + x, 3) / 2).astype(jnp.int32)
    return jnp.sum(Aux * Z, axis=-1)


def setup_inputs(seed: int = 0) -> dict:
    key = jax.random.key(seed)
    # spin-like configurations; values in {0,1} map through change_to_int to valid indices [0, 2^L)
    x = jax.random.randint(key, (BATCH, L), 0, 2, dtype=jnp.int32)
    # eigenvector amplitude table (eig_vec in __init__), matches init_kwargs: all 0.5
    aux = jnp.full((TABLE,), 0.5, dtype=jnp.float32)
    # unused learnable scalar param j1 (declared in setup but not used in __call__)
    j1 = jax.random.normal(jax.random.fold_in(key, 1), (1,), dtype=jnp.float32) * 0.01
    return {"x": x, "aux": aux, "j1": j1}


def reference(x, aux, j1):
    # EWF.__call__: indices = change_to_int(x, L); A = [aux[idx] for idx in indices]; return jnp.array(A)
    # The Python list comprehension over the leading axis is exactly a gather along axis 0.
    indices = change_to_int(x, L)
    out = jnp.take(aux, indices, axis=0)
    return out

if __name__ == "__main__":
    import jax
    _d = setup_inputs()
    print(jax.jit(kernel)(*tuple(_d.values())))

</pallas_src>

<mosaic_0001>
#map = affine_map<(d0, d1) -> (0, 0)>
#map1 = affine_map<(d0, d1) -> (0)>
module attributes {stable_mosaic.version = 14 : i64} {
  func.func @_ewf_body(%arg0: i32, %arg1: i32, %arg2: memref<8x16384xi32, #tpu.memory_space<hbm>>, %arg3: memref<256xf32, #tpu.memory_space<hbm>>, %arg4: memref<16384xf32, #tpu.memory_space<hbm>>, %arg5: memref<8x512xi32, #tpu.memory_space<vmem>>, %arg6: memref<256xf32, #tpu.memory_space<vmem>>, %arg7: memref<512xf32, #tpu.memory_space<vmem>>) attributes {dimension_semantics = [#tpu.dimension_semantics<core_parallel>, #tpu.dimension_semantics<subcore_parallel>], iteration_bounds = array<i64: 2, 16>, scalar_prefetch = 0 : i64, scratch_operands = 3 : i64, tpu.core_type = #tpu.core_type<sc_vector_subcore>, window_params = [{transform_indices = #map}, {transform_indices = #map1}, {transform_indices = #map1}]} {
    %mul3A = arith.constant 2 : i32
    %mul3A_0 = arith.muli %arg1, %mul3A : i32
    %add3A = arith.addi %mul3A_0, %arg0 : i32
    %mul3A_1 = arith.constant 512 : i32
    %mul3A_2 = arith.muli %add3A, %mul3A_1 : i32
    "tpu.region"() ({
      %run_scoped3A = tpu.sem_alloc : memref<!tpu.dma_semaphore, #tpu.memory_space<semaphore_mem>>
      %dma_start3A = arith.constant 0 : i32
      %dma_start3A_7 = tpu.memref_slice %arg2[%dma_start3A, %mul3A_2] : memref<8x16384xi32, #tpu.memory_space<hbm>> -> memref<8x512xi32, #tpu.memory_space<hbm>>
      %dma_start3A_8 = arith.constant 0 : i32
      %dma_start3A_9 = tpu.memref_slice %arg2[%dma_start3A_8, %mul3A_2] : memref<8x16384xi32, #tpu.memory_space<hbm>> -> memref<8x512xi32, #tpu.memory_space<hbm>>
      tpu.enqueue_dma source(%dma_start3A_9 : memref<8x512xi32, #tpu.memory_space<hbm>>) target(%arg5 : memref<8x512xi32, #tpu.memory_space<vmem>>) target_semaphore(%run_scoped3A : memref<!tpu.dma_semaphore, #tpu.memory_space<semaphore_mem>>)
      %dma_wait3A = arith.constant 0 : i32
      %dma_wait3A_10 = tpu.memref_slice %arg2[%dma_wait3A, %mul3A_2] : memref<8x16384xi32, #tpu.memory_space<hbm>> -> memref<8x512xi32, #tpu.memory_space<hbm>>
      %dma_wait3A_11 = arith.constant 0 : i32
      %dma_wait3A_12 = tpu.memref_slice %arg2[%dma_wait3A_11, %mul3A_2] : memref<8x16384xi32, #tpu.memory_space<hbm>> -> memref<8x512xi32, #tpu.memory_space<hbm>>
      tpu.wait_dma2 semaphore(%run_scoped3A : memref<!tpu.dma_semaphore, #tpu.memory_space<semaphore_mem>>) src(%dma_wait3A_12 : memref<8x512xi32, #tpu.memory_space<hbm>>) dst(%arg5 : memref<8x512xi32, #tpu.memory_space<vmem>>)
      tpu.yield
    }) : () -> ()
    "tpu.region"() ({
      %run_scoped3A = tpu.sem_alloc : memref<!tpu.dma_semaphore, #tpu.memory_space<semaphore_mem>>
      tpu.enqueue_dma source(%arg3 : memref<256xf32, #tpu.memory_space<hbm>>) target(%arg6 : memref<256xf32, #tpu.memory_space<vmem>>) target_semaphore(%run_scoped3A : memref<!tpu.dma_semaphore, #tpu.memory_space<semaphore_mem>>)
      tpu.wait_dma2 semaphore(%run_scoped3A : memref<!tpu.dma_semaphore, #tpu.memory_space<semaphore_mem>>) src(%arg3 : memref<256xf32, #tpu.memory_space<hbm>>) dst(%arg6 : memref<256xf32, #tpu.memory_space<vmem>>)
      tpu.yield
    }) : () -> ()
    %scan3A = arith.constant 0 : i32
    %scan3A_3 = arith.constant 32 : i32
    %scan3A_4 = arith.addi %scan3A, %scan3A_3 : i32
    %scan3A_5 = arith.constant 1 : i32
    scf.for %scan3A_7 = %scan3A to %scan3A_4 step %scan3A_5  : i32 {
      %mul3A_8 = arith.constant 1 : i32
      %mul3A_9 = arith.muli %scan3A_7, %mul3A_8 : i32
      %add3A_10 = arith.constant 0 : i32
      %add3A_11 = arith.addi %add3A_10, %mul3A_9 : i32
      %mul3A_12 = arith.constant 16 : i32
      %mul3A_13 = arith.muli %add3A_11, %mul3A_12 : i32
      %broadcast_in_dim3A = arith.constant 0 : i32
      %broadcast_in_dim3A_14 = vector.broadcast %broadcast_in_dim3A : i32 to vector<16xi32>
      %get3A = arith.constant 0 : i32
      %get3A_15 = arith.index_cast %get3A : i32 to index
      %get3A_16 = arith.index_cast %mul3A_13 : i32 to index
      %get3A_17 = tpu.vector_load %arg5[%get3A_15, %get3A_16] {strides = array<i32>} : memref<8x512xi32, #tpu.memory_space<vmem>>, vector<16xi32>,
      %shift_left3A = arith.constant 1 : i32
      %shift_left3A_18 = vector.broadcast %shift_left3A : i32 to vector<16xi32>
      %shift_left3A_19 = arith.shli %broadcast_in_dim3A_14, %shift_left3A_18 : vector<16xi32>
      %and3A = arith.constant 1 : i32
      %and3A_20 = vector.broadcast %and3A : i32 to vector<16xi32>
      %and3A_21 = arith.andi %get3A_17, %and3A_20 : vector<16xi32>
      %or3A = arith.ori %shift_left3A_19, %and3A_21 : vector<16xi32>
      %get3A_22 = arith.constant 1 : i32
      %get3A_23 = arith.index_cast %get3A_22 : i32 to index
      %get3A_24 = arith.index_cast %mul3A_13 : i32 to index
      %get3A_25 = tpu.vector_load %arg5[%get3A_23, %get3A_24] {strides = array<i32>} : memref<8x512xi32, #tpu.memory_space<vmem>>, vector<16xi32>,
      %shift_left3A_26 = arith.constant 1 : i32
      %shift_left3A_27 = vector.broadcast %shift_left3A_26 : i32 to vector<16xi32>
      %shift_left3A_28 = arith.shli %or3A, %shift_left3A_27 : vector<16xi32>
      %and3A_29 = arith.constant 1 : i32
      %and3A_30 = vector.broadcast %and3A_29 : i32 to vector<16xi32>
      %and3A_31 = arith.andi %get3A_25, %and3A_30 : vector<16xi32>
      %or3A_32 = arith.ori %shift_left3A_28, %and3A_31 : vector<16xi32>
      %get3A_33 = arith.constant 2 : i32
      %get3A_34 = arith.index_cast %get3A_33 : i32 to index
      %get3A_35 = arith.index_cast %mul3A_13 : i32 to index
      %get3A_36 = tpu.vector_load %arg5[%get3A_34, %get3A_35] {strides = array<i32>} : memref<8x512xi32, #tpu.memory_space<vmem>>, vector<16xi32>,
      %shift_left3A_37 = arith.constant 1 : i32
      %shift_left3A_38 = vector.broadcast %shift_left3A_37 : i32 to vector<16xi32>
      %shift_left3A_39 = arith.shli %or3A_32, %shift_left3A_38 : vector<16xi32>
      %and3A_40 = arith.constant 1 : i32
      %and3A_41 = vector.broadcast %and3A_40 : i32 to vector<16xi32>
      %and3A_42 = arith.andi %get3A_36, %and3A_41 : vector<16xi32>
      %or3A_43 = arith.ori %shift_left3A_39, %and3A_42 : vector<16xi32>
      %get3A_44 = arith.constant 3 : i32
      %get3A_45 = arith.index_cast %get3A_44 : i32 to index
      %get3A_46 = arith.index_cast %mul3A_13 : i32 to index
      %get3A_47 = tpu.vector_load %arg5[%get3A_45, %get3A_46] {strides = array<i32>} : memref<8x512xi32, #tpu.memory_space<vmem>>, vector<16xi32>,
      %shift_left3A_48 = arith.constant 1 : i32
      %shift_left3A_49 = vector.broadcast %shift_left3A_48 : i32 to vector<16xi32>
      %shift_left3A_50 = arith.shli %or3A_43, %shift_left3A_49 : vector<16xi32>
      %and3A_51 = arith.constant 1 : i32
      %and3A_52 = vector.broadcast %and3A_51 : i32 to vector<16xi32>
      %and3A_53 = arith.andi %get3A_47, %and3A_52 : vector<16xi32>
      %or3A_54 = arith.ori %shift_left3A_50, %and3A_53 : vector<16xi32>
      %get3A_55 = arith.constant 4 : i32
      %get3A_56 = arith.index_cast %get3A_55 : i32 to index
      %get3A_57 = arith.index_cast %mul3A_13 : i32 to index
      %get3A_58 = tpu.vector_load %arg5[%get3A_56, %get3A_57] {strides = array<i32>} : memref<8x512xi32, #tpu.memory_space<vmem>>, vector<16xi32>,
      %shift_left3A_59 = arith.constant 1 : i32
      %shift_left3A_60 = vector.broadcast %shift_left3A_59 : i32 to vector<16xi32>
      %shift_left3A_61 = arith.shli %or3A_54, %shift_left3A_60 : vector<16xi32>
      %and3A_62 = arith.constant 1 : i32
      %and3A_63 = vector.broadcast %and3A_62 : i32 to vector<16xi32>
      %and3A_64 = arith.andi %get3A_58, %and3A_63 : vector<16xi32>
      %or3A_65 = arith.ori %shift_left3A_61, %and3A_64 : vector<16xi32>
      %get3A_66 = arith.constant 5 : i32
      %get3A_67 = arith.index_cast %get3A_66 : i32 to index
      %get3A_68 = arith.index_cast %mul3A_13 : i32 to index
      %get3A_69 = tpu.vector_load %arg5[%get3A_67, %get3A_68] {strides = array<i32>} : memref<8x512xi32, #tpu.memory_space<vmem>>, vector<16xi32>,
      %shift_left3A_70 = arith.constant 1 : i32
      %shift_left3A_71 = vector.broadcast %shift_left3A_70 : i32 to vector<16xi32>
      %shift_left3A_72 = arith.shli %or3A_65, %shift_left3A_71 : vector<16xi32>
      %and3A_73 = arith.constant 1 : i32
      %and3A_74 = vector.broadcast %and3A_73 : i32 to vector<16xi32>
      %and3A_75 = arith.andi %get3A_69, %and3A_74 : vector<16xi32>
      %or3A_76 = arith.ori %shift_left3A_72, %and3A_75 : vector<16xi32>
      %get3A_77 = arith.constant 6 : i32
      %get3A_78 = arith.index_cast %get3A_77 : i32 to index
      %get3A_79 = arith.index_cast %mul3A_13 : i32 to index
      %get3A_80 = tpu.vector_load %arg5[%get3A_78, %get3A_79] {strides = array<i32>} : memref<8x512xi32, #tpu.memory_space<vmem>>, vector<16xi32>,
      %shift_left3A_81 = arith.constant 1 : i32
      %shift_left3A_82 = vector.broadcast %shift_left3A_81 : i32 to vector<16xi32>
      %shift_left3A_83 = arith.shli %or3A_76, %shift_left3A_82 : vector<16xi32>
      %and3A_84 = arith.constant 1 : i32
      %and3A_85 = vector.broadcast %and3A_84 : i32 to vector<16xi32>
      %and3A_86 = arith.andi %get3A_80, %and3A_85 : vector<16xi32>
      %or3A_87 = arith.ori %shift_left3A_83, %and3A_86 : vector<16xi32>
      %get3A_88 = arith.constant 7 : i32
      %get3A_89 = arith.index_cast %get3A_88 : i32 to index
      %get3A_90 = arith.index_cast %mul3A_13 : i32 to index
      %get3A_91 = tpu.vector_load %arg5[%get3A_89, %get3A_90] {strides = array<i32>} : memref<8x512xi32, #tpu.memory_space<vmem>>, vector<16xi32>,
      %shift_left3A_92 = arith.constant 1 : i32
      %shift_left3A_93 = vector.broadcast %shift_left3A_92 : i32 to vector<16xi32>
      %shift_left3A_94 = arith.shli %or3A_87, %shift_left3A_93 : vector<16xi32>
      %and3A_95 = arith.constant 1 : i32
      %and3A_96 = vector.broadcast %and3A_95 : i32 to vector<16xi32>
      %and3A_97 = arith.andi %get3A_91, %and3A_96 : vector<16xi32>
      %or3A_98 = arith.ori %shift_left3A_94, %and3A_97 : vector<16xi32>
      %gather3A = tpu.vector_load_idx %arg6[%or3A_98] : memref<256xf32, #tpu.memory_space<vmem>>[vector<16xi32>], vector<16xf32>,
      %swap3A = arith.index_cast %mul3A_13 : i32 to index
      %swap3A_99 = tpu.vector_load %arg7[%swap3A] {strides = array<i32>} : memref<512xf32, #tpu.memory_space<vmem>>, vector<16xf32>,
      tpu.vector_store %arg7[%swap3A], %gather3A {strides = array<i32>} : memref<512xf32, #tpu.memory_space<vmem>>, vector<16xf32>,
    }
    %scan3A_6 = arith.constant 32 : i32
    "tpu.region"() ({
      %run_scoped3A = tpu.sem_alloc : memref<!tpu.dma_semaphore, #tpu.memory_space<semaphore_mem>>
      %dma_start3A = tpu.memref_slice %arg4[%mul3A_2] : memref<16384xf32, #tpu.memory_space<hbm>> -> memref<512xf32, #tpu.memory_space<hbm>>
      %dma_start3A_7 = tpu.memref_slice %arg4[%mul3A_2] : memref<16384xf32, #tpu.memory_space<hbm>> -> memref<512xf32, #tpu.memory_space<hbm>>
      tpu.enqueue_dma source(%arg7 : memref<512xf32, #tpu.memory_space<vmem>>) target(%dma_start3A_7 : memref<512xf32, #tpu.memory_space<hbm>>) target_semaphore(%run_scoped3A : memref<!tpu.dma_semaphore, #tpu.memory_space<semaphore_mem>>)
      %dma_wait3A = tpu.memref_slice %arg4[%mul3A_2] : memref<16384xf32, #tpu.memory_space<hbm>> -> memref<512xf32, #tpu.memory_space<hbm>>
      %dma_wait3A_8 = tpu.memref_slice %arg4[%mul3A_2] : memref<16384xf32, #tpu.memory_space<hbm>> -> memref<512xf32, #tpu.memory_space<hbm>>
      tpu.wait_dma2 semaphore(%run_scoped3A : memref<!tpu.dma_semaphore, #tpu.memory_space<semaphore_mem>>) src(%arg7 : memref<512xf32, #tpu.memory_space<vmem>>) dst(%dma_wait3A_8 : memref<512xf32, #tpu.memory_space<hbm>>)
      tpu.yield
    }) : () -> ()
    return
  }
}

</mosaic_0001>

<sc_bundles>
// kernel: kernel.3.cloned.1.call-start
scs
__scs_entry_jumppad:
0x0: {  	(pc) =	sbr.rel $0x88, $3  }
0x1: {  	(tag) =	ssettag $0x0;
	lr =	simm.s32 $0x1  }
0x2: {  	[smem:$0x3F9F] =	sst lr;
	_ =	strace $0xD0000000  }
0x3: {  	_ = 	snop  }
0x4: {  	_ = 	snop  }
0x5: {  	_ = 	snop  }
0x6: {  	_ = 	snop  }
0x7: {  	_ = 	snop  }
__scs_overlays_trampoline_lowered:
0x8: {  	[smem:$0x3FAE] =	sst s0  }
0x9: {  	[smem:$0x3FAF] =	sst s1  }
0xa: {  	[smem:$0x3FB0] =	sst s2  }
0xb: {  	[smem:$0x3FB1] =	sst s3  }
0xc: {  	[smem:$0x3FB2] =	sst s4  }
0xd: {  	[smem:$0x3FB3] =	sst s5  }
0xe: {  	[smem:$0x3FB4] =	sst s6  }
0xf: {  	[smem:$0x3FB5] =	sst s7  }
0x10: {  	[smem:$0x3FB6] =	sst s8  }
0x11: {  	[smem:$0x3FB7] =	sst s9;
	s0 =	simm.s32 @!p0 $0x0  }
0x12: {  	s1 =	sld [smem:$0x3F9D];
	s0 =	simm.s32 @p0 $0x1  }
0x13: {  	[smem:$0x3FB8] =	sst s0;
	s0 =	simm.s32 @!p1 $0x0  }
0x14: {  	s2 =	sld [smem:$0x3F9C];
	s0 =	simm.s32 @p1 $0x1  }
0x15: {  	[smem:$0x3FB9] =	sst s0;
	s0 =	simm.s32 @!p2 $0x0  }
0x16: {  	s3 =	sld [smem:$0x3FDB];
	s0 =	simm.s32 @p2 $0x1  }
0x17: {  	s4 =	simm.s32 $0x1BF5;
	[smem:$0x3FBB] =	sst s0  }
0x18: {  	s0 =	sld [smem:$0x3F9E];
	_ =	swait.ge [sflag:s4], $0x0  }
0x19: {  	s7 =	sld [smem:$0x3F9F]  }
0x1a: {  	s8 =	sadd.s32 $0xFFFFE003, lr  }
0x1b: {  	s9 =	sadd.s32 $0xFFFFFEF7, lr;
	s5 =	simm.s32 $0xFFFFFFFF;
	p2 =	slt.u32 s8, $0xFFFFF086  }
0x1c: {  	p1 =	slt.u32 s9, $0xF7A;
	s5 =	simm.s32 @!p2 $0x0  }
0x1d: {  	s5 =	simm.s32 @p1 $0x1;
	p0 =	seq.s32 s7, s2  }
0x1e: {  	s7 =	smul.u32 @!p0 $0xF7A, s2;
	p2 =	seq.s32 @!p0 s5, $0x0  }
0x1f: {  	s9 =	smul.u32 $0xF7A, s1;
	s8 =	simm.s32 @!p0 $0x1BF5;
	p2 =	por !p2, p0  }
0x20: {  	[sflag:s8] =	ssyncset.s32 @!p0 $0xFFFFF086;
	s6 =	sadd.s32 @!p0 s3, s7;
	s7 =	simm.s32 @!p0 $0x108  }
0x21: {  	s3 =	sadd.s32 s3, s9;
	s6 =	sadd.s32 @!p0 $0x88, s6;
	s7 =	simm.s32 @p2 $0x1082  }
0x22: {  	[simem:s7], [sflag:s8] =	dma.local @!p0 [hbm:s6], $0xF7A  }
0x23: {  	s9 =	sor.u32 $0xD0000000, s2;
	s6 =	simm.s32 $0x108;
	_ =	swait.ge @!p0 [sflag:s8], $0x0  }
0x24: {  	s3 =	sadd.s32 $0x88, s3;
	s6 =	simm.s32 @!p1 $0x1082;
	[sflag:s4] =	ssyncset.s32 $0xFFFFF086  }
0x25: {  	[simem:s6], [sflag:s4] =	dma.local [hbm:s3], $0xF7A  }
0x26: {  	[smem:$0x3F9F] =	sst s1;
	(tag) =	ssettag s2;
	_ =	strace s9  }
0x27: {  	s1 =	sld [smem:$0x3FAF]  }
0x28: {  	s2 =	sld [smem:$0x3FB0]  }
0x29: {  	s4 =	sld [smem:$0x3FB2]  }
0x2a: {  	p0 =	seq.s32 s5, $0x0;
	s5 =	sld [smem:$0x3FB3]  }
0x2b: {  	s6 =	sld [smem:$0x3FB4]  }
0x2c: {  	s7 =	sld [smem:$0x3FB5]  }
0x2d: {  	s3 =	simm.s32 $0x108;
	s8 =	sld [smem:$0x3FB6]  }
0x2e: {  	s3 =	simm.s32 @!p0 $0x1082;
	s9 =	sld [smem:$0x3FB7]  }
0x2f: {  	lr =	sadd.s32 s0, s3;
	s0 =	sld [smem:$0x3FAE]  }
0x30: {  	s3 =	sld [smem:$0x3FB1]  }
0x31: {  	[smem:$0x3FBA] =	sst s10  }
0x32: {  	s10 =	sld [smem:$0x3FB8];
	_ =	sdelay $0x3  }
0x33: {  	p0 =	seq.s32 s10, $0x1;
	s10 =	sld [smem:$0x3FBA];
	_ =	sdelay $0x3  }
0x34: {  	[smem:$0x3FBA] =	sst s10  }
0x35: {  	s10 =	sld [smem:$0x3FB9];
	_ =	sdelay $0x3  }
0x36: {  	p1 =	seq.s32 s10, $0x1;
	s10 =	sld [smem:$0x3FBA];
	_ =	sdelay $0x3  }
0x37: {  	[smem:$0x3FBA] =	sst s10  }
0x38: {  	s10 =	sld [smem:$0x3FBB]  }
0x39: {  	_ = 	snop;
	(pc) =	sbr.ind lr, $3  }
0x3a: {  	_ = 	snop  }
0x3b: {  	_ = 	snop  }
0x3c: {  	p2 =	seq.s32 s10, $0x1;
	s10 =	sld [smem:$0x3FBA]  }
0x3d: {  	_ =	shalt  }
0x3e: {  	_ =	shalt  }
0x3f: {  	_ =	shalt  }
0x40: {  	_ =	shalt  }
0x41: {  	_ =	shalt  }
0x42: {  	_ =	shalt  }
0x43: {  	_ =	shalt  }
0x44: {  	_ =	shalt  }
0x45: {  	_ =	shalt  }
0x46: {  	_ =	shalt  }
0x47: {  	_ =	shalt  }
0x48: {  	_ =	shalt  }
0x49: {  	_ =	shalt  }
0x4a: {  	_ =	shalt  }
0x4b: {  	_ =	shalt  }
0x4c: {  	_ =	shalt  }
0x4d: {  	_ =	shalt  }
0x4e: {  	_ =	shalt  }
0x4f: {  	_ =	shalt  }
0x50: {  	_ =	shalt  }
0x51: {  	_ =	shalt  }
0x52: {  	_ =	shalt  }
0x53: {  	_ =	shalt  }
0x54: {  	_ =	shalt  }
0x55: {  	_ =	shalt  }
0x56: {  	_ =	shalt  }
0x57: {  	_ =	shalt  }
0x58: {  	_ =	shalt  }
0x59: {  	_ =	shalt  }
0x5a: {  	_ =	shalt  }
0x5b: {  	_ =	shalt  }
0x5c: {  	_ =	shalt  }
0x5d: {  	_ =	shalt  }
0x5e: {  	_ =	shalt  }
0x5f: {  	_ =	shalt  }
0x60: {  	_ =	shalt  }
0x61: {  	_ =	shalt  }
0x62: {  	_ =	shalt  }
0x63: {  	_ =	shalt  }
0x64: {  	_ =	shalt  }
0x65: {  	_ =	shalt  }
0x66: {  	_ =	shalt  }
0x67: {  	_ =	shalt  }
0x68: {  	_ =	shalt  }
0x69: {  	_ =	shalt  }
0x6a: {  	_ =	shalt  }
0x6b: {  	_ =	shalt  }
0x6c: {  	_ =	shalt  }
0x6d: {  	_ =	shalt  }
0x6e: {  	_ =	shalt  }
0x6f: {  	_ =	shalt  }
0x70: {  	_ =	shalt  }
0x71: {  	_ =	shalt  }
0x72: {  	_ =	shalt  }
0x73: {  	_ =	shalt  }
0x74: {  	_ =	shalt  }
0x75: {  	_ =	shalt  }
0x76: {  	_ =	shalt  }
0x77: {  	_ =	shalt  }
0x78: {  	_ =	shalt  }
0x79: {  	_ =	shalt  }
0x7a: {  	_ =	shalt  }
0x7b: {  	_ =	shalt  }
0x7c: {  	_ =	shalt  }
0x7d: {  	_ =	shalt  }
0x7e: {  	_ =	shalt  }
0x7f: {  	_ =	shalt  }
0x80: {  	_ =	shalt  }
0x81: {  	_ =	shalt  }
0x82: {  	_ =	shalt  }
0x83: {  	_ =	shalt  }
0x84: {  	_ =	shalt  }
0x85: {  	_ =	shalt  }
0x86: {  	_ =	shalt  }
0x87: {  	_ =	shalt  }
.Lfunc_end0:
.L_simem_size_0:
called_computation_lowered:
.L_overlay_start_0:
0x88: {  	s2 =	sld [smem:$0x3FD9]  }
0x89: {  	s3 =	sld [smem:$0x3FFE];
	_ =	sdelay $0x1  }
0x8a: {  	s1 =	srdreg.scid  }
0x8b: {  	s0 =	sand.u32 $0x1, s1  }
0x8c: {  	s18 =	sshll.u32 s0, $0xA;
	s2 =	sadd.s32 s3, s2  }
0x8d: {  	s2 =	sadd.s32 s2, s18  }
0x8e: {  	[smem:$0x3FC6] =	sst s2  }
0x8f: {  	_ = 	snop  }
0x90: {  	s2 =	sld [smem:$0x3FC9]  }
0x91: {  	s19 =	sld [smem:$0x3FC8]  }
0x92: {  	s4 =	sld [smem:$0x3FD0];
	(tm) =	ssettm $0x1  }
0x93: {  	s5 =	sld [smem:$0x3FFB];
	_ =	sdelay $0x3  }
0x94: {  	_ =	strace s5  }
0x95: {  	s5 =	sld [smem:$0x3FFC];
	_ =	sdelay $0x3  }
0x96: {  	_ =	strace s5  }
0x97: {  	s5 =	sld [smem:$0x3FFD];
	_ =	sdelay $0x3  }
0x98: {  	_ =	strace s5  }
0x99: {  	_ =	strace $0x8FFFFFFF  }
0x9a: {  	s20 =	sld [smem:$0x3FDB];
	_ =	sdelay $0x1  }
0x9b: {  	s6 =	simm.s32 $_scs_section_size  }
0x9c: {  	s7 =	simm.s32 $_size__tile_overlayer_lowered;
	s8 =	simm.s32 $_tile_overlayer_lowered  }
0x9d: {  	s23 =	simm.s32 $0x1BFF;
	s22 =	sshll.u32 s8, $0x1;
	s5 =	sadd.s32 s6, s20  }
0x9e: {  	s9 =	simm.s32 $0x0;
	s21 =	sshll.u32 s7, $0x1;
	s7 =	sadd.s32 s22, s5  }
0x9f: {  	[timem:s9], [sflag:s23] =	dma.local [hbm:s7], s21  }
0xa0: {  	_ =	swait.ge [sflag:s23], s21  }
0xa1: {  	s6 =	ssub.s32 $0x0, s21;
	[sflag:s23] =	ssyncset.done $0x0  }
0xa2: {  	[sflag:s23] =	ssyncadd.s32 s6;
	_ =	sdelay $0x1  }
0xa3: {  	s24 =	simm.s32 $0x1B8B  }
0xa4: {  	_ =	swait.ge [sflag:s24], $0x1  }
0xa5: {  	[sflag:s24] =	ssyncset.done $0x0  }
0xa6: {  	s25 =	simm.s32 $0x1B8E;
	[sflag:s24] =	ssyncadd.s32 $0xFFFFFFFF  }
0xa7: {  	s26 =	simm.s32 $execute0_lowered;
	[smem:$0x3FD2] =	sst s25  }
0xa8: {  	s6 =	sshll.u32 s26, $0x1;
	_ =	strace $0x80000046;
	[dreg:$0x1] =	wrdreg $0xFFFFFFFF  }
0xa9: {  	s28 =	simm.s32 $_size_execute0_lowered;
	s5 =	sadd.s32 s5, s6;
	[dreg:$0x0] =	wrdreg $0x0  }
0xaa: {  	s6 =	sshll.u32 s28, $0x1;
	[dreg:$0x2] =	wrdreg s5  }
0xab: {  	[dreg:$0x3] =	wrdreg s6  }
0xac: {  	[dreg:$0x4] =	wrdreg $0xC0  }
0xad: {  	_ =	task [dreg:s9], $0x5FFFF  }
0xae: {  	[dreg:$0x1] =	wrdreg $0xFFFFFFFF  }
0xaf: {  	[dreg:$0x0] =	wrdreg $0x60  }
0xb0: {  	[dreg:$0x2] =	wrdreg s2  }
0xb1: {  	[dreg:$0x3] =	wrdreg s19  }
0xb2: {  	[dreg:$0x4] =	wrdreg s4  }
0xb3: {  	[dreg:$0x5] =	wrdreg $0x9  }
0xb4: {  	_ =	task.clear_ibuf [dreg:s9], $0x6FFFF;
	_ =	strace $0x90000046  }
0xb5: {  	s29 =	simm.s32 $0x9;
	_ =	strace $0x80000048  }
0xb6: {  	_ =	swait.ge [sflag:s29], $0x1  }
0xb7: {  	[sflag:s29] =	ssyncadd.s32 $0xFFFFFFFF  }
0xb8: {  	_ =	strace $0x90000048  }
0xb9: {  	_ =	sfence  }
0xba: {  	s30 =	sld [smem:$0x0];
	_ =	sdelay $0x2  }
0xbb: {  	s31 =	sshll.u32 s1, $0xD;
	s1 =	sshrl.u32 s1, $0x2  }
0xbc: {  	s3 =	sand.u32 $0x4000, s31;
	s1 =	sadd.s32 s1, s30  }
0xbd: {  	s0 =	sor.u32 s3, s0;
	s1 =	sshll.u32 s1, $0x11  }
0xbe: {  	s0 =	sor.u32 s1, s0  }
0xbf: {  	s0 =	sadd.s32 $0x8F2B, s0  }
0xc0: {  	[sflag:s0] =	ssyncadd.remote.s32 $0x1  }
0xc1: {  	_ =	sfence.sel $0xFFFF  }
0xc2: {  	[dreg:$0x0] =	wrdreg $0xFFFFFFFF;
	(pc) =	sbr.abs _section_cstart, $3  }
0xc3: {  	[dreg:$0x1] =	wrdreg $0xFFFFFFFF  }
0xc4: {  	_ =	task.clear_ibuf [dreg:s9], $0x2FFFF;
	_ =	strace $0x9FFFFFFF  }
0xc5: {  	(tm) =	ssettm $0x7FFFFFFF  }
tec
execute0_lowered:
.L_overlay_start_1:
0x0: {  	(tag) =	ssettag $0x1  }
0x1: {  	s4 =	rddreg [dreg:$0x0]  }
0x2: {  	s1 =	rddreg [dreg:$0x1]  }
0x3: {  	s5 =	rddreg [dreg:$0x2]  }
0x4: {  	s0 =	rddreg [dreg:$0x3];
	s3 =	simm.s32 $0x0;
	s6 =	srdreg.scid  }
0x5: {  	s2 =	stileid.u32;
	s10 =	simm.s32 $0x0;
	s6 =	sand.u32 $0x1, s6  }
0x6: {  	[smem:$0x7FF] =	sst s3;
	s8 =	sshll.u32 s2, $0xA;
	s7 =	ssub.s32 $0x2, s6  }
0x7: {  	s6 =	sshll.u32 s6, $0x9;
	_ =	strace $0x80000047;
	s9 =	sshrl.u32 s7, $0x1  }
0x8: {  	s6 =	sor.u32 s6, s8;
	s8 =	simm.s32 $0x1000;
	s7 =	ssub.s32 s7, s9  }
0x9: {  	s4 =	sadd.s32 s4, s6;
	s6 =	sshrl.u32 s6, $0x3;
	s9 =	simm.s32 $0x1100  }
0xa: {  	s5 =	sadd.s32 s5, s6;
	s6 =	smax.u32 s7, $0x1;
	s7 =	simm.s32 $0x1  }
.LBB2_1:
0xb: {  	[tilespmem:s3], [sflag:$0x1] =	stream.linear.gather [hbm4b:s4+s3], $0x1000, $0x38;
	[tilespmem:$0x1300] =	vst v63  }
0xc: {  	_ =	swait.ge [sflag:s7], $0x1000  }
0xd: {  	[sflag:s7] =	ssyncset.done $0x0  }
0xe: {  	[sflag:s7] =	ssyncadd.s32 $0xFFFFF000  }
0xf: {  	[tilespmem:s8], [sflag:$0x1] =	stream.linear.gather [hbm4b:s1+s3], $0x100, $0x38;
	[tilespmem:$0x1300] =	vst v63  }
0x10: {  	_ =	swait.ge [sflag:s7], $0x100  }
0x11: {  	s11 =	sand.u32 $0x70, s3;
	s12 =	sand.u32 $0xC00, s3;
	[sflag:s7] =	ssyncset.done $0x0  }
0x12: {  	s11 =	sor.u32 s11, s12;
	[sflag:s7] =	ssyncadd.s32 $0xFFFFFF00  }
0x13: {  	v0 =	vld [tilespmem:s11+$0x0]  }
0x14: {  	v1 =	vld [tilespmem:s11+$0x80]  }
0x15: {  	v2 =	vld [tilespmem:s11+$0x100];
	_ =	sdelay $0x1  }
0x16: {  	v3 =	vld [tilespmem:s11+$0x180]  }
0x17: {  	v4 =	vld [tilespmem:s11+$0x200];
	v0 =	vshll.u32 v0, $0x1  }
0x18: {  	v5 =	vld [tilespmem:s11+$0x280];
	v1 =	vand.u32 $0x1, v1;
	v0 =	vand.u32 $0x2, v0  }
0x19: {  	v0 =	vor.u32 v1, v0;
	v1 =	vshll.u32 v2, $0x1;
	v2 =	vld [tilespmem:s11+$0x300]  }
0x1a: {  	v6 =	vld [tilespmem:s11+$0x380];
	v0 =	vshll.u32 v0, $0x2;
	v1 =	vand.u32 $0x2, v1  }
0x1b: {  	v0 =	vor.u32 v1, v0;
	v1 =	vand.u32 $0x1, v3  }
0x1c: {  	v0 =	vor.u32 v1, v0;
	v1 =	vshll.u32 v4, $0x1  }
0x1d: {  	v0 =	vshll.u32 v0, $0x2;
	v1 =	vand.u32 $0x2, v1  }
0x1e: {  	v0 =	vor.u32 v1, v0;
	v1 =	vand.u32 $0x1, v5;
	v2 =	vshll.u32 v2, $0x1  }
0x1f: {  	v0 =	vor.u32 v1, v0;
	v1 =	vand.u32 $0x2, v2;
	v2 =	vand.u32 $0x1, v6  }
0x20: {  	v0 =	vshll.u32 v0, $0x2;
	v1 =	vor.u32 v2, v1  }
0x21: {  	v0 =	vor.u32 v1, v0;
	_ =	sdelay $0x4  }
0x22: {  	v0 =	vld.idx.msk [tilespmem:v0+s8+$0x0], $0xffff;
	_ =	sdelay $0x2  }
0x23: {  	s31 =	simm.s32 $0x10;
	s13 =	simm.s32 $0x20;
	s12 =	simm.s32 $0x80  }
0x24: {  	s14 =	sand.u32 $0x70, s31;
	s15 =	sand.u32 $0xC00, s12;
	s11 =	simm.s32 $0x1100  }
.LBB2_2:
0x25: {  	p0 =	sne.s32 s13, $0x1F0;
	s14 =	sor.u32 s14, s15;
	[tilespmem:s11+$0x0] =	vst v0  }
0x26: {  	v0 =	vld [tilespmem:s14+$0x0]  }
0x27: {  	v1 =	vld [tilespmem:s14+$0x80]  }
0x28: {  	v2 =	vld [tilespmem:s14+$0x100];
	_ =	sdelay $0x1  }
0x29: {  	v3 =	vld [tilespmem:s14+$0x180]  }
0x2a: {  	v0 =	vshll.u32 v0, $0x1;
	v4 =	vld [tilespmem:s14+$0x200]  }
0x2b: {  	v0 =	vand.u32 $0x2, v0;
	v1 =	vand.u32 $0x1, v1;
	v5 =	vld [tilespmem:s14+$0x280]  }
0x2c: {  	v0 =	vor.u32 v1, v0;
	v1 =	vshll.u32 v2, $0x1;
	v2 =	vld [tilespmem:s14+$0x300]  }
0x2d: {  	v0 =	vshll.u32 v0, $0x2;
	v1 =	vand.u32 $0x2, v1;
	v6 =	vld [tilespmem:s14+$0x380]  }
0x2e: {  	v0 =	vor.u32 v1, v0;
	v1 =	vand.u32 $0x1, v3  }
0x2f: {  	v0 =	vor.u32 v1, v0;
	v1 =	vshll.u32 v4, $0x1  }
0x30: {  	v0 =	vshll.u32 v0, $0x2;
	v1 =	vand.u32 $0x2, v1  }
0x31: {  	v0 =	vor.u32 v1, v0;
	v1 =	vand.u32 $0x1, v5;
	v2 =	vshll.u32 v2, $0x1  }
0x32: {  	v0 =	vor.u32 v1, v0;
	v1 =	vand.u32 $0x2, v2;
	v2 =	vand.u32 $0x1, v6  }
0x33: {  	v0 =	vshll.u32 v0, $0x2;
	v1 =	vor.u32 v2, v1  }
0x34: {  	v0 =	vor.u32 v1, v0;
	_ =	sdelay $0x4  }
0x35: {  	v0 =	vld.idx.msk [tilespmem:v0+s8+$0x0], $0xffff  }
.Ltmp0:
0x36: {  	(pc) =	sbr.rel @p0 .LBB2_2-.Ltmp0, $3  }
0x37: {  	_ =	sdelay $0x1  }
0x38: {  	s12 =	sadd.s32 $0x80, s12;
	s11 =	sadd.s32 $0x10, s11  }
0x39: {  	s15 =	sand.u32 $0xC00, s12;
	s14 =	sand.u32 $0x70, s13;
	s13 =	sadd.s32 $0x10, s13  }
0x3a: {  	s12 =	sor.u32 s14, s15;
	[tilespmem:s11+$0x0] =	vst v0  }
0x3b: {  	v0 =	vld [tilespmem:s12+$0x0]  }
0x3c: {  	v1 =	vld [tilespmem:s12+$0x80]  }
0x3d: {  	v2 =	vld [tilespmem:s12+$0x100];
	_ =	sdelay $0x1  }
0x3e: {  	v3 =	vld [tilespmem:s12+$0x180]  }
0x3f: {  	v4 =	vld [tilespmem:s12+$0x200];
	v0 =	vshll.u32 v0, $0x1  }
0x40: {  	v5 =	vld [tilespmem:s12+$0x280];
	v1 =	vand.u32 $0x1, v1;
	v0 =	vand.u32 $0x2, v0  }
0x41: {  	v58 =	vld [tilespmem:s12+$0x300];
	v57 =	vshll.u32 v2, $0x1;
	v0 =	vor.u32 v1, v0  }
0x42: {  	v6 =	vld [tilespmem:s12+$0x380];
	v1 =	vand.u32 $0x2, v57;
	v0 =	vshll.u32 v0, $0x2  }
0x43: {  	v59 =	vand.u32 $0x1, v3;
	v0 =	vor.u32 v1, v0  }
0x44: {  	v60 =	vshll.u32 v4, $0x1;
	v0 =	vor.u32 v59, v0  }
0x45: {  	v1 =	vand.u32 $0x2, v60;
	v0 =	vshll.u32 v0, $0x2  }
0x46: {  	v61 =	vand.u32 $0x1, v5;
	v2 =	vshll.u32 v58, $0x1;
	v0 =	vor.u32 v1, v0  }
0x47: {  	v63 =	vand.u32 $0x1, v6;
	v62 =	vand.u32 $0x2, v2;
	v0 =	vor.u32 v61, v0  }
0x48: {  	v1 =	vor.u32 v63, v62;
	v0 =	vshll.u32 v0, $0x2  }
0x49: {  	v0 =	vor.u32 v1, v0;
	_ =	sdelay $0x4  }
0x4a: {  	v0 =	vld.idx.msk [tilespmem:v0+s8+$0x0], $0xffff;
	_ =	sdelay $0x2  }
0x4b: {  	s10 =	sadd.s32 $0x1, s10  }
0x4c: {  	s31 =	sadd.s32 $0x10, s11;
	p0 =	sne.s32 s10, s6  }
.Ltmp1:
0x4d: {  	[tilespmem:s31+$0x0] =	vst v0;
	(pc) =	sbr.rel @p0 .LBB2_1-.Ltmp1, $4  }
0x4e: {  	[hbm4b:s5+s3] =	stream.linear.scatter [tilespmem:s9], [sflag:$0x1], $0x200, $0x38;
	[tilespmem:$0x1300] =	vst v63  }
0x4f: {  	_ =	swait.ge [sflag:s7], $0x200  }
0x50: {  	[sflag:s7] =	ssyncset.done $0x0  }
0x51: {  	[sflag:s7] =	ssyncadd.s32 $0xFFFFFE00  }
0x52: {  	_ =	sfence.sel $0x180000  }
0x53: {  	[bflag:$0x0] =	sbarrier.arrive $0xFFFF  }
0x54: {  	p0 =	sne.s32 s2, $0x0;
	_ =	strace $0x90000047  }
0x55: {  	s0 =	sadd.s32 @!p0 $0x100000, s0;
	[bflag:$0x2] =	sbarrier.arrive $0xFFFF  }
0x56: {  	[sflag:s0] =	ssyncadd.tile.s32 @!p0 $0x1;
	_ =	shalt  }
.Lfunc_end2:
_tile_overlayer_lowered:
.L_overlay_start_2:
0x57: {  	(tag) =	ssettag $0x2  }
0x58: {  	s0 =	rddreg [dreg:$0x0];
	s2 =	stileid.u32  }
0x59: {  	s1 =	rddreg [dreg:$0x1];
	p0 =	sne.s32 s2, $0x0  }
0x5a: {  	s3 =	rddreg [dreg:$0x2];
	[bflag:$0x3] =	sbarrier.arrive $0xFFFF;
	s2 =	simm.s32 @!p0 $0x1C01  }
0x5b: {  	[timem:s3], [sflag:s2] =	dma.local @!p0 [hbm:s0], s1  }
0x5c: {  	s0 =	simm.s32 @!p0 $0x1  }
0x5d: {  	_ =	swait.ge @!p0 [sflag:s0], s1  }
0x5e: {  	s1 =	ssub.s32 @!p0 $0x0, s1;
	[sflag:s0] =	ssyncset.done @!p0 $0x0  }
0x5f: {  	[sflag:s0] =	ssyncadd.s32 @!p0 s1  }
0x60: {  	[bflag:$0x3] =	sbarrier.arrive $0xFFFF  }
0x61: {  	_ =	shalt  }

</sc_bundles>
